<compile_context>
chip_gen: v7x
topology: tpu7x:2x2x1
jax: 0.10.2.dev20260603
libtpu: 0.0.44.dev20260713+nightly
codegen_flags: <defaults>
</compile_context>

<pallas_src>
import functools

import jax
import jax.numpy as jnp
from jax import lax
from jax.experimental import pallas as pl
from jax.experimental.pallas import tpu as pltpu
from jax.experimental.pallas import tpu_sc as plsc

_NC = 2
_NS = 16
_LANES = 16
_CHUNK = 1
_S_SC = 32
_BS = 224


def _tc_add_body(x_ref, pe_ref, o_ref):
    o_ref[...] = x_ref[...] + pe_ref[...][:, None, :]


def _merge_body(tc_ref, sc_ref, o_ref):
    del tc_ref
    o_ref[...] = sc_ref[...]


def _make_sc_kernel(S_sc, base_row, B, D, dtype):
    NW = _NC * _NS
    rows_per_w = S_sc // NW
    n_chunks = rows_per_w // _CHUNK
    mesh = plsc.VectorSubcoreMesh(core_axis_name="c", subcore_axis_name="s")

    @functools.partial(
        pl.kernel,
        out_type=jax.ShapeDtypeStruct((S_sc, B, D), dtype),
        mesh=mesh,
        scratch_types=[
            pltpu.VMEM((_CHUNK, B, D), dtype),
            pltpu.VMEM((_CHUNK, B, D), dtype),
            pltpu.VMEM((_CHUNK, D), dtype),
            pltpu.VMEM((_CHUNK, D), dtype),
            pltpu.VMEM((_CHUNK, B, D), dtype),
            pltpu.VMEM((_CHUNK, B, D), dtype),
            pltpu.SemaphoreType.DMA,
            pltpu.SemaphoreType.DMA,
            pltpu.SemaphoreType.DMA,
            pltpu.SemaphoreType.DMA,
            pltpu.SemaphoreType.DMA,
            pltpu.SemaphoreType.DMA,
        ],
    )
    def k(x_hbm, pe_hbm, out_hbm, xb0, xb1, pb0, pb1, ob0, ob1,
          si0, si1, sp0, sp1, so0, so1):
        wid = lax.axis_index("s") * _NC + lax.axis_index("c")
        obase = wid * rows_per_w
        ibase = base_row + obase
        xbufs, pbufs, obufs = [xb0, xb1], [pb0, pb1], [ob0, ob1]
        sin, spe, sout = [si0, si1], [sp0, sp1], [so0, so1]
        in_d = [None] * n_chunks
        pe_d = [None] * n_chunks
        out_d = [None] * n_chunks

        def start_in(ci):
            row = ibase + ci * _CHUNK
            b = ci % 2
            in_d[ci] = pltpu.async_copy(
                x_hbm.at[pl.ds(row, _CHUNK)], xbufs[b], sin[b])
            pe_d[ci] = pltpu.async_copy(
                pe_hbm.at[pl.ds(row, _CHUNK)], pbufs[b], spe[b])

        start_in(0)
        for ci in range(n_chunks):
            b = ci % 2
            if ci + 1 < n_chunks:
                start_in(ci + 1)
            in_d[ci].wait()
            pe_d[ci].wait()
            if ci >= 2:
                out_d[ci - 2].wait()
            xbuf, pbuf, obuf = xbufs[b], pbufs[b], obufs[b]
            for r in range(_CHUNK):
                @plsc.parallel_loop(0, D, _LANES, unroll=4)
                def d_body(dd, r=r, xbuf=xbuf, pbuf=pbuf, obuf=obuf):
                    sl = pl.ds(dd, _LANES)
                    pv = pbuf[r, sl]
                    for bb in range(B):
                        obuf[r, bb, sl] = xbuf[r, bb, sl] + pv
            out_d[ci] = pltpu.async_copy(
                obuf, out_hbm.at[pl.ds(obase + ci * _CHUNK, _CHUNK)], sout[b])
        if n_chunks >= 2:
            out_d[n_chunks - 2].wait()
        out_d[n_chunks - 1].wait()

    return k


def kernel(x, pe):
    S, B, D = x.shape
    pe = pe[:S]
    s_tc = S - _S_SC

    sc_out = _make_sc_kernel(_S_SC, s_tc, B, D, x.dtype)(x, pe)

    tc_full = pl.pallas_call(
        _tc_add_body,
        grid=(s_tc // _BS,),
        in_specs=[
            pl.BlockSpec((_BS, B, D), lambda i: (i, 0, 0)),
            pl.BlockSpec((_BS, D), lambda i: (i, 0)),
        ],
        out_specs=pl.BlockSpec((_BS, B, D), lambda i: (i, 0, 0)),
        out_shape=jax.ShapeDtypeStruct((S, B, D), x.dtype),
    )(x, pe)

    return pl.pallas_call(
        _merge_body,
        grid=(1,),
        in_specs=[
            pl.BlockSpec((_S_SC, B, D), lambda i: (s_tc // _S_SC, 0, 0)),
            pl.BlockSpec((_S_SC, B, D), lambda i: (0, 0, 0)),
        ],
        out_specs=pl.BlockSpec((_S_SC, B, D), lambda i: (s_tc // _S_SC, 0, 0)),
        out_shape=jax.ShapeDtypeStruct((S, B, D), x.dtype),
        input_output_aliases={0: 0},
    )(tc_full, sc_out)

# --- scband reference (transcript-rebuilt; emitter-appended) ---
"""Pipeline reference for scband-learned-positional-encoding-89120571392067 (READ-ONLY COPY).

The authoritative reference and input builder live on the scoring server;
editing this copy changes nothing except your own understanding.
"""

import jax, jax.numpy as jnp
import numpy as np

SEQ = 2048
BATCH = 4
D_MODEL = 1024
MAX_LEN = 2048

def setup_inputs(seed: int = 0) -> dict:
    key = jax.random.key(seed)
    k1, k2 = jax.random.split(key)
    x = jax.random.normal(k1, (SEQ, BATCH, D_MODEL), dtype=jnp.float32)
    pe = jax.random.normal(k2, (MAX_LEN, D_MODEL), dtype=jnp.float32) * 0.02
    return {"x": x, "pe": pe}

def reference(x, pe):
    # position = arange(x.size(0)).unsqueeze(1) -> [S, 1]
    position = jnp.arange(x.shape[0])[:, None]
    # nn.Embedding lookup: pe[position] -> [S, 1, d_model]; broadcast add over batch dim
    pos_emb = jnp.take(pe, position, axis=0)  # [S, 1, d_model]
    return x + pos_emb

if __name__ == "__main__":
    import jax
    _d = setup_inputs()
    print(jax.jit(kernel)(*tuple(_d.values())))

</pallas_src>

<mosaic_0001>
#map = affine_map<(d0, d1) -> (0, 0, 0)>
#map1 = affine_map<(d0, d1) -> (0, 0)>
module attributes {stable_mosaic.version = 14 : i64} {
  func.func @k(%arg0: i32, %arg1: i32, %arg2: memref<2048x4x1024xf32, #tpu.memory_space<hbm>>, %arg3: memref<2048x1024xf32, #tpu.memory_space<hbm>>, %arg4: memref<32x4x1024xf32, #tpu.memory_space<hbm>>, %arg5: memref<1x4x1024xf32, #tpu.memory_space<vmem>>, %arg6: memref<1x4x1024xf32, #tpu.memory_space<vmem>>, %arg7: memref<1x1024xf32, #tpu.memory_space<vmem>>, %arg8: memref<1x1024xf32, #tpu.memory_space<vmem>>, %arg9: memref<1x4x1024xf32, #tpu.memory_space<vmem>>, %arg10: memref<1x4x1024xf32, #tpu.memory_space<vmem>>, %arg11: memref<!tpu.dma_semaphore, #tpu.memory_space<semaphore_mem>>, %arg12: memref<!tpu.dma_semaphore, #tpu.memory_space<semaphore_mem>>, %arg13: memref<!tpu.dma_semaphore, #tpu.memory_space<semaphore_mem>>, %arg14: memref<!tpu.dma_semaphore, #tpu.memory_space<semaphore_mem>>, %arg15: memref<!tpu.dma_semaphore, #tpu.memory_space<semaphore_mem>>, %arg16: memref<!tpu.dma_semaphore, #tpu.memory_space<semaphore_mem>>) attributes {dimension_semantics = [#tpu.dimension_semantics<core_parallel>, #tpu.dimension_semantics<subcore_parallel>], iteration_bounds = array<i64: 2, 16>, scalar_prefetch = 0 : i64, scratch_operands = 12 : i64, tpu.core_type = #tpu.core_type<sc_vector_subcore>, window_params = [{transform_indices = #map}, {transform_indices = #map1}, {transform_indices = #map}]} {
    %mul3A = arith.constant 2 : i32
    %mul3A_0 = arith.muli %arg1, %mul3A : i32
    %add3A = arith.addi %mul3A_0, %arg0 : i32
    %mul3A_1 = arith.constant 1 : i32
    %mul3A_2 = arith.muli %add3A, %mul3A_1 : i32
    %add3A_3 = arith.constant 2016 : i32
    %add3A_4 = arith.addi %add3A_3, %mul3A_2 : i32
    %add3A_5 = arith.constant 0 : i32
    %add3A_6 = arith.addi %add3A_4, %add3A_5 : i32
    %dma_start3A = arith.constant 0 : i32
    %dma_start3A_7 = arith.constant 0 : i32
    %dma_start3A_8 = tpu.memref_slice %arg2[%add3A_6, %dma_start3A, %dma_start3A_7] : memref<2048x4x1024xf32, #tpu.memory_space<hbm>> -> memref<1x4x1024xf32, #tpu.memory_space<hbm>>
    %dma_start3A_9 = arith.constant 0 : i32
    %dma_start3A_10 = arith.constant 0 : i32
    %dma_start3A_11 = tpu.memref_slice %arg2[%add3A_6, %dma_start3A_9, %dma_start3A_10] : memref<2048x4x1024xf32, #tpu.memory_space<hbm>> -> memref<1x4x1024xf32, #tpu.memory_space<hbm>>
    tpu.enqueue_dma source(%dma_start3A_11 : memref<1x4x1024xf32, #tpu.memory_space<hbm>>) target(%arg5 : memref<1x4x1024xf32, #tpu.memory_space<vmem>>) target_semaphore(%arg11 : memref<!tpu.dma_semaphore, #tpu.memory_space<semaphore_mem>>)
    %dma_start3A_12 = arith.constant 0 : i32
    %dma_start3A_13 = tpu.memref_slice %arg3[%add3A_6, %dma_start3A_12] : memref<2048x1024xf32, #tpu.memory_space<hbm>> -> memref<1x1024xf32, #tpu.memory_space<hbm>>
    %dma_start3A_14 = arith.constant 0 : i32
    %dma_start3A_15 = tpu.memref_slice %arg3[%add3A_6, %dma_start3A_14] : memref<2048x1024xf32, #tpu.memory_space<hbm>> -> memref<1x1024xf32, #tpu.memory_space<hbm>>
    tpu.enqueue_dma source(%dma_start3A_15 : memref<1x1024xf32, #tpu.memory_space<hbm>>) target(%arg7 : memref<1x1024xf32, #tpu.memory_space<vmem>>) target_semaphore(%arg13 : memref<!tpu.dma_semaphore, #tpu.memory_space<semaphore_mem>>)
    %dma_wait3A = arith.constant 0 : i32
    %dma_wait3A_16 = arith.constant 0 : i32
    %dma_wait3A_17 = tpu.memref_slice %arg2[%add3A_6, %dma_wait3A, %dma_wait3A_16] : memref<2048x4x1024xf32, #tpu.memory_space<hbm>> -> memref<1x4x1024xf32, #tpu.memory_space<hbm>>
    %dma_wait3A_18 = arith.constant 0 : i32
    %dma_wait3A_19 = arith.constant 0 : i32
    %dma_wait3A_20 = tpu.memref_slice %arg2[%add3A_6, %dma_wait3A_18, %dma_wait3A_19] : memref<2048x4x1024xf32, #tpu.memory_space<hbm>> -> memref<1x4x1024xf32, #tpu.memory_space<hbm>>
    tpu.wait_dma2 semaphore(%arg11 : memref<!tpu.dma_semaphore, #tpu.memory_space<semaphore_mem>>) src(%dma_wait3A_20 : memref<1x4x1024xf32, #tpu.memory_space<hbm>>) dst(%arg5 : memref<1x4x1024xf32, #tpu.memory_space<vmem>>)
    %dma_wait3A_21 = arith.constant 0 : i32
    %dma_wait3A_22 = tpu.memref_slice %arg3[%add3A_6, %dma_wait3A_21] : memref<2048x1024xf32, #tpu.memory_space<hbm>> -> memref<1x1024xf32, #tpu.memory_space<hbm>>
    %dma_wait3A_23 = arith.constant 0 : i32
    %dma_wait3A_24 = tpu.memref_slice %arg3[%add3A_6, %dma_wait3A_23] : memref<2048x1024xf32, #tpu.memory_space<hbm>> -> memref<1x1024xf32, #tpu.memory_space<hbm>>
    tpu.wait_dma2 semaphore(%arg13 : memref<!tpu.dma_semaphore, #tpu.memory_space<semaphore_mem>>) src(%dma_wait3A_24 : memref<1x1024xf32, #tpu.memory_space<hbm>>) dst(%arg7 : memref<1x1024xf32, #tpu.memory_space<vmem>>)
    %parallel_loop3A = arith.constant 0 : i32
    %parallel_loop3A_25 = arith.constant 1024 : i32
    %parallel_loop3A_26 = arith.constant 16 : i32
    scf.for %parallel_loop3A_41 = %parallel_loop3A to %parallel_loop3A_25 step %parallel_loop3A_26  : i32 {
      %parallel_loop3A_42 = arith.constant 0 : i32
      %parallel_loop3A_43 = arith.index_cast %parallel_loop3A_42 : i32 to index
      %parallel_loop3A_44 = arith.index_cast %parallel_loop3A_41 : i32 to index
      %parallel_loop3A_45 = tpu.vector_load %arg7[%parallel_loop3A_43, %parallel_loop3A_44] {strides = array<i32>} : memref<1x1024xf32, #tpu.memory_space<vmem>>, vector<1x16xf32>,
      %parallel_loop3A_46 = vector.shape_cast %parallel_loop3A_45 : vector<1x16xf32> to vector<16xf32>
      %parallel_loop3A_47 = arith.constant 0 : i32
      %parallel_loop3A_48 = arith.constant 0 : i32
      %parallel_loop3A_49 = arith.index_cast %parallel_loop3A_47 : i32 to index
      %parallel_loop3A_50 = arith.index_cast %parallel_loop3A_48 : i32 to index
      %parallel_loop3A_51 = arith.index_cast %parallel_loop3A_41 : i32 to index
      %parallel_loop3A_52 = tpu.vector_load %arg5[%parallel_loop3A_49, %parallel_loop3A_50, %parallel_loop3A_51] {strides = array<i32>} : memref<1x4x1024xf32, #tpu.memory_space<vmem>>, vector<1x1x16xf32>,
      %parallel_loop3A_53 = vector.shape_cast %parallel_loop3A_52 : vector<1x1x16xf32> to vector<16xf32>
      %parallel_loop3A_54 = arith.addf %parallel_loop3A_53, %parallel_loop3A_46 : vector<16xf32>
      %parallel_loop3A_55 = arith.constant 0 : i32
      %parallel_loop3A_56 = arith.constant 0 : i32
      %parallel_loop3A_57 = arith.index_cast %parallel_loop3A_55 : i32 to index
      %parallel_loop3A_58 = arith.index_cast %parallel_loop3A_56 : i32 to index
      %parallel_loop3A_59 = arith.index_cast %parallel_loop3A_41 : i32 to index
      %parallel_loop3A_60 = tpu.vector_load %arg9[%parallel_loop3A_57, %parallel_loop3A_58, %parallel_loop3A_59] {strides = array<i32>} : memref<1x4x1024xf32, #tpu.memory_space<vmem>>, vector<1x1x16xf32>,
      %parallel_loop3A_61 = vector.shape_cast %parallel_loop3A_60 : vector<1x1x16xf32> to vector<16xf32>
      %parallel_loop3A_62 = vector.shape_cast %parallel_loop3A_54 : vector<16xf32> to vector<1x1x16xf32>
      tpu.vector_store %arg9[%parallel_loop3A_57, %parallel_loop3A_58, %parallel_loop3A_59], %parallel_loop3A_62 {strides = array<i32>} : memref<1x4x1024xf32, #tpu.memory_space<vmem>>, vector<1x1x16xf32>,
      %parallel_loop3A_63 = arith.constant 0 : i32
      %parallel_loop3A_64 = arith.constant 1 : i32
      %parallel_loop3A_65 = arith.index_cast %parallel_loop3A_63 : i32 to index
      %parallel_loop3A_66 = arith.index_cast %parallel_loop3A_64 : i32 to index
      %parallel_loop3A_67 = arith.index_cast %parallel_loop3A_41 : i32 to index
      %parallel_loop3A_68 = tpu.vector_load %arg5[%parallel_loop3A_65, %parallel_loop3A_66, %parallel_loop3A_67] {strides = array<i32>} : memref<1x4x1024xf32, #tpu.memory_space<vmem>>, vector<1x1x16xf32>,
      %parallel_loop3A_69 = vector.shape_cast %parallel_loop3A_68 : vector<1x1x16xf32> to vector<16xf32>
      %parallel_loop3A_70 = arith.addf %parallel_loop3A_69, %parallel_loop3A_46 : vector<16xf32>
      %parallel_loop3A_71 = arith.constant 0 : i32
      %parallel_loop3A_72 = arith.constant 1 : i32
      %parallel_loop3A_73 = arith.index_cast %parallel_loop3A_71 : i32 to index
      %parallel_loop3A_74 = arith.index_cast %parallel_loop3A_72 : i32 to index
      %parallel_loop3A_75 = arith.index_cast %parallel_loop3A_41 : i32 to index
      %parallel_loop3A_76 = tpu.vector_load %arg9[%parallel_loop3A_73, %parallel_loop3A_74, %parallel_loop3A_75] {strides = array<i32>} : memref<1x4x1024xf32, #tpu.memory_space<vmem>>, vector<1x1x16xf32>,
      %parallel_loop3A_77 = vector.shape_cast %parallel_loop3A_76 : vector<1x1x16xf32> to vector<16xf32>
      %parallel_loop3A_78 = vector.shape_cast %parallel_loop3A_70 : vector<16xf32> to vector<1x1x16xf32>
      tpu.vector_store %arg9[%parallel_loop3A_73, %parallel_loop3A_74, %parallel_loop3A_75], %parallel_loop3A_78 {strides = array<i32>} : memref<1x4x1024xf32, #tpu.memory_space<vmem>>, vector<1x1x16xf32>,
      %parallel_loop3A_79 = arith.constant 0 : i32
      %parallel_loop3A_80 = arith.constant 2 : i32
      %parallel_loop3A_81 = arith.index_cast %parallel_loop3A_79 : i32 to index
      %parallel_loop3A_82 = arith.index_cast %parallel_loop3A_80 : i32 to index
      %parallel_loop3A_83 = arith.index_cast %parallel_loop3A_41 : i32 to index
      %parallel_loop3A_84 = tpu.vector_load %arg5[%parallel_loop3A_81, %parallel_loop3A_82, %parallel_loop3A_83] {strides = array<i32>} : memref<1x4x1024xf32, #tpu.memory_space<vmem>>, vector<1x1x16xf32>,
      %parallel_loop3A_85 = vector.shape_cast %parallel_loop3A_84 : vector<1x1x16xf32> to vector<16xf32>
      %parallel_loop3A_86 = arith.addf %parallel_loop3A_85, %parallel_loop3A_46 : vector<16xf32>
      %parallel_loop3A_87 = arith.constant 0 : i32
      %parallel_loop3A_88 = arith.constant 2 : i32
      %parallel_loop3A_89 = arith.index_cast %parallel_loop3A_87 : i32 to index
      %parallel_loop3A_90 = arith.index_cast %parallel_loop3A_88 : i32 to index
      %parallel_loop3A_91 = arith.index_cast %parallel_loop3A_41 : i32 to index
      %parallel_loop3A_92 = tpu.vector_load %arg9[%parallel_loop3A_89, %parallel_loop3A_90, %parallel_loop3A_91] {strides = array<i32>} : memref<1x4x1024xf32, #tpu.memory_space<vmem>>, vector<1x1x16xf32>,
      %parallel_loop3A_93 = vector.shape_cast %parallel_loop3A_92 : vector<1x1x16xf32> to vector<16xf32>
      %parallel_loop3A_94 = vector.shape_cast %parallel_loop3A_86 : vector<16xf32> to vector<1x1x16xf32>
      tpu.vector_store %arg9[%parallel_loop3A_89, %parallel_loop3A_90, %parallel_loop3A_91], %parallel_loop3A_94 {strides = array<i32>} : memref<1x4x1024xf32, #tpu.memory_space<vmem>>, vector<1x1x16xf32>,
      %parallel_loop3A_95 = arith.constant 0 : i32
      %parallel_loop3A_96 = arith.constant 3 : i32
      %parallel_loop3A_97 = arith.index_cast %parallel_loop3A_95 : i32 to index
      %parallel_loop3A_98 = arith.index_cast %parallel_loop3A_96 : i32 to index
      %parallel_loop3A_99 = arith.index_cast %parallel_loop3A_41 : i32 to index
      %parallel_loop3A_100 = tpu.vector_load %arg5[%parallel_loop3A_97, %parallel_loop3A_98, %parallel_loop3A_99] {strides = array<i32>} : memref<1x4x1024xf32, #tpu.memory_space<vmem>>, vector<1x1x16xf32>,
      %parallel_loop3A_101 = vector.shape_cast %parallel_loop3A_100 : vector<1x1x16xf32> to vector<16xf32>
      %parallel_loop3A_102 = arith.addf %parallel_loop3A_101, %parallel_loop3A_46 : vector<16xf32>
      %parallel_loop3A_103 = arith.constant 0 : i32
      %parallel_loop3A_104 = arith.constant 3 : i32
      %parallel_loop3A_105 = arith.index_cast %parallel_loop3A_103 : i32 to index
      %parallel_loop3A_106 = arith.index_cast %parallel_loop3A_104 : i32 to index
      %parallel_loop3A_107 = arith.index_cast %parallel_loop3A_41 : i32 to index
      %parallel_loop3A_108 = tpu.vector_load %arg9[%parallel_loop3A_105, %parallel_loop3A_106, %parallel_loop3A_107] {strides = array<i32>} : memref<1x4x1024xf32, #tpu.memory_space<vmem>>, vector<1x1x16xf32>,
      %parallel_loop3A_109 = vector.shape_cast %parallel_loop3A_108 : vector<1x1x16xf32> to vector<16xf32>
      %parallel_loop3A_110 = vector.shape_cast %parallel_loop3A_102 : vector<16xf32> to vector<1x1x16xf32>
      tpu.vector_store %arg9[%parallel_loop3A_105, %parallel_loop3A_106, %parallel_loop3A_107], %parallel_loop3A_110 {strides = array<i32>} : memref<1x4x1024xf32, #tpu.memory_space<vmem>>, vector<1x1x16xf32>,
    } {sc.loop_unroll_factor = 4 : i64, sc.parallel_access}
    %add3A_27 = arith.constant 0 : i32
    %add3A_28 = arith.addi %mul3A_2, %add3A_27 : i32
    %dma_start3A_29 = arith.constant 0 : i32
    %dma_start3A_30 = arith.constant 0 : i32
    %dma_start3A_31 = tpu.memref_slice %arg4[%add3A_28, %dma_start3A_29, %dma_start3A_30] : memref<32x4x1024xf32, #tpu.memory_space<hbm>> -> memref<1x4x1024xf32, #tpu.memory_space<hbm>>
    %dma_start3A_32 = arith.constant 0 : i32
    %dma_start3A_33 = arith.constant 0 : i32
    %dma_start3A_34 = tpu.memref_slice %arg4[%add3A_28, %dma_start3A_32, %dma_start3A_33] : memref<32x4x1024xf32, #tpu.memory_space<hbm>> -> memref<1x4x1024xf32, #tpu.memory_space<hbm>>
    tpu.enqueue_dma source(%arg9 : memref<1x4x1024xf32, #tpu.memory_space<vmem>>) target(%dma_start3A_34 : memref<1x4x1024xf32, #tpu.memory_space<hbm>>) target_semaphore(%arg15 : memref<!tpu.dma_semaphore, #tpu.memory_space<semaphore_mem>>)
    %dma_wait3A_35 = arith.constant 0 : i32
    %dma_wait3A_36 = arith.constant 0 : i32
    %dma_wait3A_37 = tpu.memref_slice %arg4[%add3A_28, %dma_wait3A_35, %dma_wait3A_36] : memref<32x4x1024xf32, #tpu.memory_space<hbm>> -> memref<1x4x1024xf32, #tpu.memory_space<hbm>>
    %dma_wait3A_38 = arith.constant 0 : i32
    %dma_wait3A_39 = arith.constant 0 : i32
    %dma_wait3A_40 = tpu.memref_slice %arg4[%add3A_28, %dma_wait3A_38, %dma_wait3A_39] : memref<32x4x1024xf32, #tpu.memory_space<hbm>> -> memref<1x4x1024xf32, #tpu.memory_space<hbm>>
    tpu.wait_dma2 semaphore(%arg15 : memref<!tpu.dma_semaphore, #tpu.memory_space<semaphore_mem>>) src(%arg9 : memref<1x4x1024xf32, #tpu.memory_space<vmem>>) dst(%dma_wait3A_40 : memref<1x4x1024xf32, #tpu.memory_space<hbm>>)
    return
  }
}

module attributes {stable_mosaic.version = 14 : i64} {
  func.func @_tc_add_body(%arg0: i32, %arg1: memref<224x4x1024xf32, #tpu.memory_space<vmem>>, %arg2: memref<224x1024xf32, #tpu.memory_space<vmem>>, %arg3: memref<224x4x1024xf32, #tpu.memory_space<vmem>>) attributes {dimension_semantics = [#tpu.dimension_semantics<arbitrary>], iteration_bounds = array<i64: 9>, scalar_prefetch = 0 : i64, scratch_operands = 0 : i64, tpu.core_type = #tpu.core_type<tc>, window_params = [{transform_indices = @transform_0, window_bounds = array<i64: 224, 4, 1024>}, {transform_indices = @transform_1, window_bounds = array<i64: 224, 1024>}, {transform_indices = @transform_2, window_bounds = array<i64: 224, 4, 1024>}]} {
    %get3A = arith.constant 0 : index
    %get3A_0 = arith.constant 0 : index
    %get3A_1 = arith.constant 0 : index
    %get3A_2 = vector.load %arg1[%get3A, %get3A_0, %get3A_1] : memref<224x4x1024xf32, #tpu.memory_space<vmem>>, vector<224x4x1024xf32>
    %get3A_3 = arith.constant 0 : index
    %get3A_4 = arith.constant 0 : index
    %get3A_5 = vector.load %arg2[%get3A_3, %get3A_4] : memref<224x1024xf32, #tpu.memory_space<vmem>>, vector<224x1024xf32>
    %broadcast_in_dim3A = vector.shape_cast %get3A_5 : vector<224x1024xf32> to vector<224x1x1024xf32>
    %add3A = vector.broadcast %broadcast_in_dim3A : vector<224x1x1024xf32> to vector<224x4x1024xf32>
    %add3A_6 = arith.addf %get3A_2, %add3A : vector<224x4x1024xf32>
    %swap3A = arith.constant 0 : index
    %swap3A_7 = arith.constant 0 : index
    %swap3A_8 = arith.constant 0 : index
    %swap3A_9 = vector.load %arg3[%swap3A, %swap3A_7, %swap3A_8] : memref<224x4x1024xf32, #tpu.memory_space<vmem>>, vector<224x4x1024xf32>
    tpu.vector_store %arg3[%swap3A, %swap3A_7, %swap3A_8], %add3A_6 {strides = array<i32>} : memref<224x4x1024xf32, #tpu.memory_space<vmem>>, vector<224x4x1024xf32>,
    return
  }
  func.func @transform_0(%arg0: i32) -> (i32, i32, i32) {
    %c0_i32 = arith.constant 0 : i32
    %c0_i32_0 = arith.constant 0 : i32
    %c0_i32_1 = arith.constant 0 : i32
    return %arg0, %c0_i32, %c0_i32_0 : i32, i32, i32
  }
  func.func @transform_1(%arg0: i32) -> (i32, i32) {
    %c0_i32 = arith.constant 0 : i32
    %c0_i32_0 = arith.constant 0 : i32
    return %arg0, %c0_i32 : i32, i32
  }
  func.func @transform_2(%arg0: i32) -> (i32, i32, i32) {
    %c0_i32 = arith.constant 0 : i32
    %c0_i32_0 = arith.constant 0 : i32
    %c0_i32_1 = arith.constant 0 : i32
    return %arg0, %c0_i32, %c0_i32_0 : i32, i32, i32
  }
}

module attributes {stable_mosaic.version = 14 : i64} {
  func.func @_merge_body(%arg0: i32, %arg1: memref<32x4x1024xf32, #tpu.memory_space<vmem>>, %arg2: memref<32x4x1024xf32, #tpu.memory_space<vmem>>, %arg3: memref<32x4x1024xf32, #tpu.memory_space<vmem>>) attributes {dimension_semantics = [#tpu.dimension_semantics<arbitrary>], iteration_bounds = array<i64: 1>, scalar_prefetch = 0 : i64, scratch_operands = 0 : i64, tpu.core_type = #tpu.core_type<tc>, window_params = [{transform_indices = @transform_0, window_bounds = array<i64: 32, 4, 1024>}, {pipeline_mode = #tpu.pipeline_mode<synchronous>, transform_indices = @transform_1, window_bounds = array<i64: 32, 4, 1024>}, {transform_indices = @transform_2, window_bounds = array<i64: 32, 4, 1024>}]} {
    %get3A = arith.constant 0 : index
    %get3A_0 = arith.constant 0 : index
    %get3A_1 = arith.constant 0 : index
    %get3A_2 = vector.load %arg2[%get3A, %get3A_0, %get3A_1] : memref<32x4x1024xf32, #tpu.memory_space<vmem>>, vector<32x4x1024xf32>
    %swap3A = arith.constant 0 : index
    %swap3A_3 = arith.constant 0 : index
    %swap3A_4 = arith.constant 0 : index
    %swap3A_5 = vector.load %arg3[%swap3A, %swap3A_3, %swap3A_4] : memref<32x4x1024xf32, #tpu.memory_space<vmem>>, vector<32x4x1024xf32>
    tpu.vector_store %arg3[%swap3A, %swap3A_3, %swap3A_4], %get3A_2 {strides = array<i32>} : memref<32x4x1024xf32, #tpu.memory_space<vmem>>, vector<32x4x1024xf32>,
    return
  }
  func.func @transform_0(%arg0: i32) -> (i32, i32, i32) {
    %c63_i32 = arith.constant 63 : i32
    %c0_i32 = arith.constant 0 : i32
    %c0_i32_0 = arith.constant 0 : i32
    %c0_i32_1 = arith.constant 0 : i32
    return %c63_i32, %c0_i32, %c0_i32_0 : i32, i32, i32
  }
  func.func @transform_1(%arg0: i32) -> (i32, i32, i32) {
    %c0_i32 = arith.constant 0 : i32
    %c0_i32_0 = arith.constant 0 : i32
    %c0_i32_1 = arith.constant 0 : i32
    %c0_i32_2 = arith.constant 0 : i32
    return %c0_i32, %c0_i32_0, %c0_i32_1 : i32, i32, i32
  }
  func.func @transform_2(%arg0: i32) -> (i32, i32, i32) {
    %c63_i32 = arith.constant 63 : i32
    %c0_i32 = arith.constant 0 : i32
    %c0_i32_0 = arith.constant 0 : i32
    %c0_i32_1 = arith.constant 0 : i32
    return %c63_i32, %c0_i32, %c0_i32_0 : i32, i32, i32
  }
}

</mosaic_0001>

<sc_bundles>
// kernel: kernel.5.cloned.1.call-start
scs
__scs_entry_jumppad:
0x0: {  	(pc) =	sbr.rel $0x88, $3  }
0x1: {  	(tag) =	ssettag $0x0;
	lr =	simm.s32 $0x1  }
0x2: {  	[smem:$0x3F9F] =	sst lr;
	_ =	strace $0xD0000000  }
0x3: {  	_ = 	snop  }
0x4: {  	_ = 	snop  }
0x5: {  	_ = 	snop  }
0x6: {  	_ = 	snop  }
0x7: {  	_ = 	snop  }
__scs_overlays_trampoline_lowered:
0x8: {  	[smem:$0x3FAE] =	sst s0  }
0x9: {  	[smem:$0x3FAF] =	sst s1  }
0xa: {  	[smem:$0x3FB0] =	sst s2  }
0xb: {  	[smem:$0x3FB1] =	sst s3  }
0xc: {  	[smem:$0x3FB2] =	sst s4  }
0xd: {  	[smem:$0x3FB3] =	sst s5  }
0xe: {  	[smem:$0x3FB4] =	sst s6  }
0xf: {  	[smem:$0x3FB5] =	sst s7  }
0x10: {  	[smem:$0x3FB6] =	sst s8  }
0x11: {  	[smem:$0x3FB7] =	sst s9;
	s0 =	simm.s32 @!p0 $0x0  }
0x12: {  	s1 =	sld [smem:$0x3F9D];
	s0 =	simm.s32 @p0 $0x1  }
0x13: {  	[smem:$0x3FB8] =	sst s0;
	s0 =	simm.s32 @!p1 $0x0  }
0x14: {  	s2 =	sld [smem:$0x3F9C];
	s0 =	simm.s32 @p1 $0x1  }
0x15: {  	[smem:$0x3FB9] =	sst s0;
	s0 =	simm.s32 @!p2 $0x0  }
0x16: {  	s3 =	sld [smem:$0x3FDB];
	s0 =	simm.s32 @p2 $0x1  }
0x17: {  	s4 =	simm.s32 $0x1BF5;
	[smem:$0x3FBB] =	sst s0  }
0x18: {  	s0 =	sld [smem:$0x3F9E];
	_ =	swait.ge [sflag:s4], $0x0  }
0x19: {  	s7 =	sld [smem:$0x3F9F]  }
0x1a: {  	s8 =	sadd.s32 $0xFFFFE003, lr  }
0x1b: {  	s9 =	sadd.s32 $0xFFFFFEF7, lr;
	s5 =	simm.s32 $0xFFFFFFFF;
	p2 =	slt.u32 s8, $0xFFFFF086  }
0x1c: {  	p1 =	slt.u32 s9, $0xF7A;
	s5 =	simm.s32 @!p2 $0x0  }
0x1d: {  	s5 =	simm.s32 @p1 $0x1;
	p0 =	seq.s32 s7, s2  }
0x1e: {  	s7 =	smul.u32 @!p0 $0xF7A, s2;
	p2 =	seq.s32 @!p0 s5, $0x0  }
0x1f: {  	s9 =	smul.u32 $0xF7A, s1;
	s8 =	simm.s32 @!p0 $0x1BF5;
	p2 =	por !p2, p0  }
0x20: {  	[sflag:s8] =	ssyncset.s32 @!p0 $0xFFFFF086;
	s6 =	sadd.s32 @!p0 s3, s7;
	s7 =	simm.s32 @!p0 $0x108  }
0x21: {  	s3 =	sadd.s32 s3, s9;
	s6 =	sadd.s32 @!p0 $0x88, s6;
	s7 =	simm.s32 @p2 $0x1082  }
0x22: {  	[simem:s7], [sflag:s8] =	dma.local @!p0 [hbm:s6], $0xF7A  }
0x23: {  	s9 =	sor.u32 $0xD0000000, s2;
	s6 =	simm.s32 $0x108;
	_ =	swait.ge @!p0 [sflag:s8], $0x0  }
0x24: {  	s3 =	sadd.s32 $0x88, s3;
	s6 =	simm.s32 @!p1 $0x1082;
	[sflag:s4] =	ssyncset.s32 $0xFFFFF086  }
0x25: {  	[simem:s6], [sflag:s4] =	dma.local [hbm:s3], $0xF7A  }
0x26: {  	[smem:$0x3F9F] =	sst s1;
	(tag) =	ssettag s2;
	_ =	strace s9  }
0x27: {  	s1 =	sld [smem:$0x3FAF]  }
0x28: {  	s2 =	sld [smem:$0x3FB0]  }
0x29: {  	s4 =	sld [smem:$0x3FB2]  }
0x2a: {  	p0 =	seq.s32 s5, $0x0;
	s5 =	sld [smem:$0x3FB3]  }
0x2b: {  	s6 =	sld [smem:$0x3FB4]  }
0x2c: {  	s7 =	sld [smem:$0x3FB5]  }
0x2d: {  	s3 =	simm.s32 $0x108;
	s8 =	sld [smem:$0x3FB6]  }
0x2e: {  	s3 =	simm.s32 @!p0 $0x1082;
	s9 =	sld [smem:$0x3FB7]  }
0x2f: {  	lr =	sadd.s32 s0, s3;
	s0 =	sld [smem:$0x3FAE]  }
0x30: {  	s3 =	sld [smem:$0x3FB1]  }
0x31: {  	[smem:$0x3FBA] =	sst s10  }
0x32: {  	s10 =	sld [smem:$0x3FB8];
	_ =	sdelay $0x3  }
0x33: {  	p0 =	seq.s32 s10, $0x1;
	s10 =	sld [smem:$0x3FBA];
	_ =	sdelay $0x3  }
0x34: {  	[smem:$0x3FBA] =	sst s10  }
0x35: {  	s10 =	sld [smem:$0x3FB9];
	_ =	sdelay $0x3  }
0x36: {  	p1 =	seq.s32 s10, $0x1;
	s10 =	sld [smem:$0x3FBA];
	_ =	sdelay $0x3  }
0x37: {  	[smem:$0x3FBA] =	sst s10  }
0x38: {  	s10 =	sld [smem:$0x3FBB]  }
0x39: {  	_ = 	snop;
	(pc) =	sbr.ind lr, $3  }
0x3a: {  	_ = 	snop  }
0x3b: {  	_ = 	snop  }
0x3c: {  	p2 =	seq.s32 s10, $0x1;
	s10 =	sld [smem:$0x3FBA]  }
0x3d: {  	_ =	shalt  }
0x3e: {  	_ =	shalt  }
0x3f: {  	_ =	shalt  }
0x40: {  	_ =	shalt  }
0x41: {  	_ =	shalt  }
0x42: {  	_ =	shalt  }
0x43: {  	_ =	shalt  }
0x44: {  	_ =	shalt  }
0x45: {  	_ =	shalt  }
0x46: {  	_ =	shalt  }
0x47: {  	_ =	shalt  }
0x48: {  	_ =	shalt  }
0x49: {  	_ =	shalt  }
0x4a: {  	_ =	shalt  }
0x4b: {  	_ =	shalt  }
0x4c: {  	_ =	shalt  }
0x4d: {  	_ =	shalt  }
0x4e: {  	_ =	shalt  }
0x4f: {  	_ =	shalt  }
0x50: {  	_ =	shalt  }
0x51: {  	_ =	shalt  }
0x52: {  	_ =	shalt  }
0x53: {  	_ =	shalt  }
0x54: {  	_ =	shalt  }
0x55: {  	_ =	shalt  }
0x56: {  	_ =	shalt  }
0x57: {  	_ =	shalt  }
0x58: {  	_ =	shalt  }
0x59: {  	_ =	shalt  }
0x5a: {  	_ =	shalt  }
0x5b: {  	_ =	shalt  }
0x5c: {  	_ =	shalt  }
0x5d: {  	_ =	shalt  }
0x5e: {  	_ =	shalt  }
0x5f: {  	_ =	shalt  }
0x60: {  	_ =	shalt  }
0x61: {  	_ =	shalt  }
0x62: {  	_ =	shalt  }
0x63: {  	_ =	shalt  }
0x64: {  	_ =	shalt  }
0x65: {  	_ =	shalt  }
0x66: {  	_ =	shalt  }
0x67: {  	_ =	shalt  }
0x68: {  	_ =	shalt  }
0x69: {  	_ =	shalt  }
0x6a: {  	_ =	shalt  }
0x6b: {  	_ =	shalt  }
0x6c: {  	_ =	shalt  }
0x6d: {  	_ =	shalt  }
0x6e: {  	_ =	shalt  }
0x6f: {  	_ =	shalt  }
0x70: {  	_ =	shalt  }
0x71: {  	_ =	shalt  }
0x72: {  	_ =	shalt  }
0x73: {  	_ =	shalt  }
0x74: {  	_ =	shalt  }
0x75: {  	_ =	shalt  }
0x76: {  	_ =	shalt  }
0x77: {  	_ =	shalt  }
0x78: {  	_ =	shalt  }
0x79: {  	_ =	shalt  }
0x7a: {  	_ =	shalt  }
0x7b: {  	_ =	shalt  }
0x7c: {  	_ =	shalt  }
0x7d: {  	_ =	shalt  }
0x7e: {  	_ =	shalt  }
0x7f: {  	_ =	shalt  }
0x80: {  	_ =	shalt  }
0x81: {  	_ =	shalt  }
0x82: {  	_ =	shalt  }
0x83: {  	_ =	shalt  }
0x84: {  	_ =	shalt  }
0x85: {  	_ =	shalt  }
0x86: {  	_ =	shalt  }
0x87: {  	_ =	shalt  }
.Lfunc_end0:
.L_simem_size_0:
called_computation_lowered:
.L_overlay_start_0:
0x88: {  	s2 =	sld [smem:$0x3FD9]  }
0x89: {  	s3 =	sld [smem:$0x3FFE];
	_ =	sdelay $0x1  }
0x8a: {  	s1 =	srdreg.scid  }
0x8b: {  	s0 =	sand.u32 $0x1, s1  }
0x8c: {  	s17 =	sshll.u32 s0, $0xA;
	s2 =	sadd.s32 s3, s2  }
0x8d: {  	s2 =	sadd.s32 s2, s17  }
0x8e: {  	[smem:$0x3FC6] =	sst s2  }
0x8f: {  	_ = 	snop  }
0x90: {  	s2 =	sld [smem:$0x3FC9]  }
0x91: {  	s18 =	sld [smem:$0x3FC8];
	(tm) =	ssettm $0x1  }
0x92: {  	s4 =	sld [smem:$0x3FFB];
	_ =	sdelay $0x3  }
0x93: {  	_ =	strace s4  }
0x94: {  	s4 =	sld [smem:$0x3FFC];
	_ =	sdelay $0x3  }
0x95: {  	_ =	strace s4  }
0x96: {  	s4 =	sld [smem:$0x3FFD];
	_ =	sdelay $0x3  }
0x97: {  	_ =	strace s4  }
0x98: {  	_ =	strace $0x8FFFFFFF  }
0x99: {  	s19 =	sld [smem:$0x3FDB];
	_ =	sdelay $0x1  }
0x9a: {  	s5 =	simm.s32 $_scs_section_size  }
0x9b: {  	s6 =	simm.s32 $_size__tile_overlayer_lowered;
	s7 =	simm.s32 $_tile_overlayer_lowered  }
0x9c: {  	s22 =	simm.s32 $0x1BFF;
	s21 =	sshll.u32 s7, $0x1;
	s4 =	sadd.s32 s5, s19  }
0x9d: {  	s8 =	simm.s32 $0x0;
	s20 =	sshll.u32 s6, $0x1;
	s6 =	sadd.s32 s21, s4  }
0x9e: {  	[timem:s8], [sflag:s22] =	dma.local [hbm:s6], s20  }
0x9f: {  	_ =	swait.ge [sflag:s22], s20  }
0xa0: {  	s5 =	ssub.s32 $0x0, s20;
	[sflag:s22] =	ssyncset.done $0x0  }
0xa1: {  	[sflag:s22] =	ssyncadd.s32 s5;
	_ =	sdelay $0x1  }
0xa2: {  	s23 =	simm.s32 $0x1B8B  }
0xa3: {  	_ =	swait.ge [sflag:s23], $0x1  }
0xa4: {  	[sflag:s23] =	ssyncset.done $0x0  }
0xa5: {  	s25 =	simm.s32 $0x1B8E;
	s24 =	sld [smem:$0x3FFE];
	[sflag:s23] =	ssyncadd.s32 $0xFFFFFFFF  }
0xa6: {  	s26 =	simm.s32 $execute0_lowered;
	[smem:$0x3FD2] =	sst s25  }
0xa7: {  	s6 =	sshll.u32 s26, $0x1;
	_ =	strace $0x80000046;
	[dreg:$0x1] =	wrdreg $0xFFFFFFFF  }
0xa8: {  	s28 =	simm.s32 $_size_execute0_lowered;
	s4 =	sadd.s32 s4, s6;
	[dreg:$0x0] =	wrdreg $0x0  }
0xa9: {  	s6 =	sshll.u32 s28, $0x1;
	[dreg:$0x2] =	wrdreg s4  }
0xaa: {  	[dreg:$0x3] =	wrdreg s6  }
0xab: {  	[dreg:$0x4] =	wrdreg $0xC0  }
0xac: {  	_ =	task [dreg:s8], $0x5FFFF  }
0xad: {  	[dreg:$0x1] =	wrdreg $0xFFFFFFFF  }
0xae: {  	[dreg:$0x0] =	wrdreg $0x60  }
0xaf: {  	[dreg:$0x2] =	wrdreg s2  }
0xb0: {  	[dreg:$0x3] =	wrdreg s18  }
0xb1: {  	[dreg:$0x4] =	wrdreg s24  }
0xb2: {  	[dreg:$0x5] =	wrdreg $0x9  }
0xb3: {  	_ =	task.clear_ibuf [dreg:s8], $0x6FFFF;
	_ =	strace $0x90000046  }
0xb4: {  	s29 =	simm.s32 $0x9;
	_ =	strace $0x80000048  }
0xb5: {  	_ =	swait.ge [sflag:s29], $0x1  }
0xb6: {  	[sflag:s29] =	ssyncadd.s32 $0xFFFFFFFF  }
0xb7: {  	_ =	strace $0x90000048  }
0xb8: {  	_ =	sfence  }
0xb9: {  	s30 =	sld [smem:$0x0];
	_ =	sdelay $0x2  }
0xba: {  	s31 =	sshll.u32 s1, $0xD;
	s1 =	sshrl.u32 s1, $0x2  }
0xbb: {  	s3 =	sand.u32 $0x4000, s31;
	s1 =	sadd.s32 s1, s30  }
0xbc: {  	s0 =	sor.u32 s3, s0;
	s1 =	sshll.u32 s1, $0x11  }
0xbd: {  	s0 =	sor.u32 s1, s0  }
0xbe: {  	s0 =	sadd.s32 $0x8F2B, s0  }
0xbf: {  	[sflag:s0] =	ssyncadd.remote.s32 $0x1  }
0xc0: {  	_ =	sfence.sel $0xFFFF  }
0xc1: {  	[dreg:$0x0] =	wrdreg $0xFFFFFFFF;
	(pc) =	sbr.abs _section_cstart, $3  }
0xc2: {  	[dreg:$0x1] =	wrdreg $0xFFFFFFFF  }
0xc3: {  	_ =	task.clear_ibuf [dreg:s8], $0x2FFFF;
	_ =	strace $0x9FFFFFFF  }
0xc4: {  	(tm) =	ssettm $0x7FFFFFFF  }
0xc5: {  	_ =	shalt  }
tec
execute0_lowered:
.L_overlay_start_1:
0x0: {  	(tag) =	ssettag $0x1  }
0x1: {  	s0 =	rddreg [dreg:$0x0]  }
0x2: {  	s1 =	rddreg [dreg:$0x1];
	s2 =	srdreg.scid  }
0x3: {  	s5 =	stileid.u32;
	s3 =	rddreg [dreg:$0x2];
	s10 =	simm.s32 $0x1  }
0x4: {  	s11 =	simm.s32 $0x2;
	s13 =	simm.s32 $0x3;
	s14 =	simm.s32 $0x0  }
0x5: {  	s4 =	sand.u32 $0x1, s2;
	s5 =	sshll.u32 s5, $0x1;
	s2 =	simm.s32 $0x0  }
0x6: {  	s5 =	sor.u32 s4, s5;
	[smem:$0x7FF] =	sst s2;
	s25 =	ssub.s32 $0x2, s4  }
0x7: {  	s6 =	sshll.u32 s5, $0x9;
	_ =	strace $0x80000047;
	s4 =	sshrl.u32 s25, $0x1  }
0x8: {  	s7 =	sor.u32 $0x7E0, s5;
	s5 =	sshll.u32 s5, $0x4;
	s6 =	sadd.s32 s6, s3  }
0x9: {  	s26 =	sshll.u32 s7, $0x7;
	s28 =	sand.u32 $0x70, s5;
	s29 =	sshll.u32 s7, $0x9  }
0xa: {  	s30 =	sand.u32 $0x3FC00, s26;
	s1 =	sadd.s32 s1, s28;
	s0 =	sadd.s32 s0, s29  }
0xb: {  	s8 =	ssub.s32 s25, s4;
	[dreg:$0x4] =	wrdreg s0;
	s31 =	sadd.s32 s30, s1  }
0xc: {  	s5 =	sadd.s32 $0x800, s6;
	s6 =	smax.u32 s8, $0x1;
	[dreg:$0x5] =	wrdreg s31  }
.LBB2_1:
0xd: {  	s0 =	rddreg [dreg:$0x4]  }
0xe: {  	s20 =	rddreg [dreg:$0x5]  }
0xf: {  	[tilespmem:s2], [sflag:$0x1] =	stream.linear.gather [hbm4b:s0+s2], $0x1000, $0x38;
	[tilespmem:$0x2400] =	vst v63  }
0x10: {  	s1 =	simm.s32 $0x80;
	s3 =	simm.s32 $0x400;
	s4 =	simm.s32 $0x1000  }
0x11: {  	[tilespmem:s4], [sflag:$0x2] =	stream.strided.gather [hbm4b:s20+s1], $0x400, s3, s1, $0x38;
	[tilespmem:$0x2400] =	vst v63  }
0x12: {  	_ =	swait.ge [sflag:s10], $0x1000  }
0x13: {  	[sflag:s10] =	ssyncset.done $0x0  }
0x14: {  	s21 =	simm.s32 $0x0;
	[sflag:s10] =	ssyncadd.s32 $0xFFFFF000  }
0x15: {  	s22 =	sand.u32 $0x40, s21;
	s0 =	sand.u32 $0x380, s21;
	_ =	swait.ge [sflag:s11], $0x400  }
0x16: {  	s0 =	sor.u32 $0x1000, s0;
	s7 =	sor.u32 $0x30, s22;
	[sflag:s11] =	ssyncset.done $0x0  }
0x17: {  	s15 =	sand.u32 $0xE00, s2;
	s16 =	sor.u32 s7, s0;
	[sflag:s11] =	ssyncadd.s32 $0xFFFFFC00  }
0x18: {  	s7 =	sor.u32 s7, s15;
	v4 =	vld [tilespmem:s16+$0x0]  }
0x19: {  	s23 =	sor.u32 $0x10, s22;
	v0 =	vld [tilespmem:s7+$0x0]  }
0x1a: {  	s18 =	sor.u32 $0x20, s22;
	s17 =	sor.u32 s23, s0;
	v1 =	vld [tilespmem:s7+$0x80]  }
0x1b: {  	s0 =	sor.u32 s18, s0;
	v6 =	vld [tilespmem:s17+$0x0]  }
0x1c: {  	s16 =	sor.u32 s23, s15;
	v7 =	vld [tilespmem:s0+$0x0]  }
0x1d: {  	p0 =	por $0x0, $0x0;
	s17 =	simm.s32 $0x1;
	v2 =	vld [tilespmem:s16+$0x0]  }
0x1e: {  	s18 =	sor.u32 s18, s15;
	s17 =	simm.s32 @!p0 $0x0;
	v3 =	vld [tilespmem:s16+$0x80];
	v0 =	vadd.f32 v0, v4  }
0x1f: {  	v5 =	vld [tilespmem:s18+$0x0];
	s17 =	sshll.u32 s17, $0x6  }
0x20: {  	s17 =	sadd.s32 $0x0, s17;
	v1 =	vadd.f32 v1, v4;
	[tilespmem:s7+$0x1400] =	vst v0;
	v0 =	vld [tilespmem:s18+$0x80]  }
0x21: {  	s19 =	sadd.s32 $0x30, s17  }
0x22: {  	s21 =	sor.u32 $0x100, s19;
	v2 =	vadd.f32 v2, v6;
	[tilespmem:s7+$0x1480] =	vst v1  }
0x23: {  	v3 =	vadd.f32 v3, v6;
	s7 =	sor.u32 s22, s15;
	v1 =	vld [tilespmem:s21+$0x0]  }
0x24: {  	s24 =	simm.s32 $0x40;
	s1 =	sadd.s32 $0x10, s17;
	v8 =	vld [tilespmem:s7+$0x0];
	[tilespmem:s16+$0x1400] =	vst v2;
	v2 =	vadd.f32 v5, v7  }
0x25: {  	s25 =	sand.u32 $0x380, s24;
	s0 =	sor.u32 $0x100, s1;
	v5 =	vld [tilespmem:s7+$0x80];
	[tilespmem:s16+$0x1480] =	vst v3;
	v3 =	vadd.f32 v0, v7  }
0x26: {  	s20 =	simm.s32 $0x0;
	s15 =	sadd.s32 $0x20, s17;
	s22 =	sand.u32 $0x40, s24;
	v9 =	vld [tilespmem:s0+$0x0];
	[tilespmem:s18+$0x1400] =	vst v2  }
0x27: {  	s16 =	sor.u32 $0x100, s15;
	s26 =	sor.u32 $0x30, s22;
	v0 =	vld [tilespmem:s20+$0x1000];
	[tilespmem:s18+$0x1480] =	vst v3;
	s18 =	sor.u32 $0x1000, s25  }
0x28: {  	s3 =	sor.u32 $0x10, s22;
	v1 =	vadd.f32 v1, v4;
	v10 =	vld [tilespmem:s16+$0x0];
	s23 =	sor.u32 s26, s18  }
0x29: {  	s31 =	simm.s32 $0x100;
	s4 =	sor.u32 $0x20, s22;
	s24 =	sor.u32 s3, s18;
	v12 =	vld [tilespmem:s23+$0x0]  }
0x2a: {  	[tilespmem:s21+$0x1400] =	vst v1;
	s21 =	sand.u32 $0xE00, s31;
	s18 =	sor.u32 s4, s18;
	v1 =	vld [tilespmem:s24+$0x0]  }
0x2b: {  	s20 =	sor.u32 $0x180, s19;
	s19 =	sor.u32 s26, s21;
	v2 =	vld [tilespmem:s18+$0x0]  }
0x2c: {  	v3 =	vld [tilespmem:s19+$0x0]  }
0x2d: {  	s23 =	sor.u32 s3, s21;
	v13 =	vld [tilespmem:s19+$0x80]  }
0x2e: {  	v8 =	vadd.f32 v8, v0;
	v15 =	vld [tilespmem:s23+$0x80]  }
0x2f: {  	p0 =	por !p0, !p0;
	s25 =	simm.s32 $0x1;
	v9 =	vadd.f32 v9, v6;
	s26 =	sor.u32 s4, s21;
	v14 =	vld [tilespmem:s23+$0x0]  }
0x30: {  	s25 =	simm.s32 @!p0 $0x0;
	v5 =	vadd.f32 v5, v0;
	[tilespmem:s7+$0x1400] =	vst v8;
	v8 =	vld [tilespmem:s26+$0x0]  }
0x31: {  	s8 =	sshll.u32 s25, $0x6;
	[tilespmem:s0+$0x1400] =	vst v9;
	v16 =	vld [tilespmem:s26+$0x80];
	v3 =	vadd.f32 v3, v12  }
0x32: {  	v11 =	vld [tilespmem:s20+$0x0];
	s21 =	sor.u32 s22, s21;
	s18 =	sadd.s32 $0x100, s8;
	[tilespmem:s7+$0x1480] =	vst v5;
	v13 =	vadd.f32 v13, v12  }
0x33: {  	v17 =	vld [tilespmem:s21+$0x0];
	s9 =	sadd.s32 $0x30, s18;
	v5 =	vadd.f32 v15, v1;
	[tilespmem:s19+$0x1400] =	vst v3  }
0x34: {  	s12 =	sor.u32 $0x100, s9;
	v3 =	vadd.f32 v14, v1;
	[tilespmem:s19+$0x1480] =	vst v13;
	v14 =	vld [tilespmem:s21+$0x80]  }
0x35: {  	s24 =	simm.s32 $0x40;
	s19 =	sadd.s32 $0x10, s18;
	[tilespmem:s23+$0x1480] =	vst v5;
	v5 =	vadd.f32 v8, v2;
	v13 =	vld [tilespmem:s12+$0x0]  }
0x36: {  	s0 =	sor.u32 $0x180, s1;
	s7 =	sor.u32 $0x100, s17;
	v9 =	vadd.f32 v16, v2;
	s28 =	sor.u32 $0x100, s19;
	[tilespmem:s23+$0x1400] =	vst v3;
	v3 =	vld [tilespmem:s24+$0x1000]  }
0x37: {  	v10 =	vadd.f32 v10, v7;
	s23 =	sadd.s32 $0x20, s18;
	[tilespmem:s26+$0x1400] =	vst v5;
	v5 =	vld [tilespmem:s7+$0x0];
	s24 =	sor.u32 $0x180, s15;
	s15 =	simm.s32 $0x80  }
0x38: {  	[tilespmem:s26+$0x1480] =	vst v9;
	v8 =	vld [tilespmem:s28+$0x0];
	s1 =	sor.u32 $0x100, s23;
	s26 =	sand.u32 $0x40, s15;
	s31 =	sand.u32 $0x380, s15  }
0x39: {  	[tilespmem:s16+$0x1400] =	vst v10;
	s16 =	simm.s32 $0x200;
	v10 =	vld [tilespmem:s1+$0x0];
	s3 =	sor.u32 $0x1000, s31;
	s4 =	sor.u32 $0x30, s26  }
0x3a: {  	s30 =	sand.u32 $0xE00, s16;
	s31 =	sor.u32 s4, s3;
	v9 =	vadd.f32 v13, v12;
	v13 =	vld [tilespmem:s0+$0x0]  }
0x3b: {  	v11 =	vadd.f32 v11, v4;
	s25 =	sor.u32 s4, s30;
	v4 =	vld [tilespmem:s31+$0x0]  }
0x3c: {  	v63 =	vld [tilespmem:s25+$0x80]  }
0x3d: {  	[tilespmem:s20+$0x1400] =	vst v11;
	v62 =	vadd.f32 v17, v3;
	v11 =	vadd.f32 v14, v3;
	v14 =	vld [tilespmem:s25+$0x0]  }
0x3e: {  	s29 =	sor.u32 $0x180, s9;
	s8 =	sor.u32 $0x10, s26;
	[tilespmem:s12+$0x1400] =	vst v9;
	v9 =	vld [tilespmem:s24+$0x0]  }
0x3f: {  	s9 =	sor.u32 s8, s3;
	v8 =	vadd.f32 v8, v1;
	v15 =	vld [tilespmem:s29+$0x0];
	[tilespmem:s21+$0x1400] =	vst v62  }
0x40: {  	s20 =	sor.u32 s8, s30;
	[tilespmem:s21+$0x1480] =	vst v11;
	v11 =	vadd.f32 v5, v0;
	v5 =	vld [tilespmem:s9+$0x0]  }
0x41: {  	p0 =	por !p0, !p0;
	s12 =	sor.u32 $0x20, s26;
	[tilespmem:s28+$0x1400] =	vst v8;
	v8 =	vadd.f32 v10, v2;
	v10 =	vld [tilespmem:s20+$0x0];
	s28 =	simm.s32 $0x1  }
0x42: {  	s22 =	sor.u32 s12, s3;
	[tilespmem:s7+$0x1400] =	vst v11;
	v11 =	vadd.f32 v13, v6;
	s28 =	simm.s32 @!p0 $0x0;
	v13 =	vld [tilespmem:s20+$0x80]  }
0x43: {  	s3 =	sor.u32 s12, s30;
	v6 =	vld [tilespmem:s22+$0x0];
	[tilespmem:s1+$0x1400] =	vst v8;
	s4 =	sshll.u32 s28, $0x6;
	v8 =	vadd.f32 v14, v4  }
0x44: {  	v14 =	vadd.f32 v63, v4;
	[tilespmem:s0+$0x1400] =	vst v11;
	s8 =	sadd.s32 $0x200, s4;
	v11 =	vld [tilespmem:s3+$0x0]  }
0x45: {  	s22 =	sor.u32 s26, s30;
	v12 =	vadd.f32 v15, v12;
	[tilespmem:s25+$0x1400] =	vst v8;
	v15 =	vld [tilespmem:s3+$0x80];
	s30 =	sadd.s32 $0x30, s8  }
0x46: {  	[tilespmem:s25+$0x1480] =	vst v14;
	v8 =	vld [tilespmem:s22+$0x0];
	v10 =	vadd.f32 v10, v5;
	s1 =	sor.u32 $0x100, s30  }
0x47: {  	[tilespmem:s29+$0x1400] =	vst v12;
	v12 =	vadd.f32 v13, v5;
	v13 =	vld [tilespmem:s1+$0x0]  }
0x48: {  	s9 =	simm.s32 $0x80;
	v14 =	vadd.f32 v9, v7;
	s12 =	sadd.s32 $0x10, s8;
	v9 =	vld [tilespmem:s22+$0x80];
	[tilespmem:s20+$0x1400] =	vst v10  }
0x49: {  	s17 =	sor.u32 $0x180, s17;
	s21 =	sor.u32 $0x100, s18;
	v7 =	vld [tilespmem:s9+$0x1000];
	s29 =	sor.u32 $0x100, s12;
	[tilespmem:s20+$0x1480] =	vst v12;
	v10 =	vadd.f32 v11, v6  }
0x4a: {  	s18 =	sor.u32 $0x180, s18;
	s26 =	sor.u32 $0x100, s8;
	[tilespmem:s24+$0x1400] =	vst v14;
	s24 =	sadd.s32 $0x20, s8;
	v12 =	vld [tilespmem:s29+$0x0];
	v14 =	vadd.f32 v15, v6  }
0x4b: {  	s25 =	sor.u32 $0x180, s12;
	s28 =	sor.u32 $0x100, s24;
	s20 =	sor.u32 $0x180, s19;
	v11 =	vld [tilespmem:s21+$0x0];
	[tilespmem:s3+$0x1400] =	vst v10  }
0x4c: {  	s24 =	sor.u32 $0x180, s24;
	s19 =	sor.u32 $0x180, s23;
	s23 =	sor.u32 $0x180, s8;
	v10 =	vld [tilespmem:s20+$0x0];
	[tilespmem:s3+$0x1480] =	vst v14;
	v13 =	vadd.f32 v13, v4  }
.LBB2_2:
0x4d: {  	s15 =	sadd.s32 $0x40, s15;
	v14 =	vld [tilespmem:s28+$0x0]  }
0x4e: {  	s8 =	sand.u32 $0x40, s15;
	s0 =	sand.u32 $0x380, s15;
	v8 =	vadd.f32 v8, v7;
	v9 =	vadd.f32 v9, v7;
	[tilespmem:s1+$0x1400] =	vst v13;
	s1 =	sor.u32 $0x180, s30;
	v13 =	vld [tilespmem:s19+$0x0]  }
0x4f: {  	s16 =	sadd.s32 $0x100, s16;
	s7 =	sor.u32 $0x1000, s0;
	s0 =	sor.u32 $0x30, s8;
	v12 =	vadd.f32 v12, v5;
	v15 =	vld [tilespmem:s1+$0x0]  }
0x50: {  	s30 =	sand.u32 $0xE00, s16;
	s31 =	sor.u32 $0x10, s8;
	s9 =	sor.u32 s0, s7;
	[tilespmem:s22+$0x1400] =	vst v8;
	v8 =	vadd.f32 v11, v3;
	v11 =	vld [tilespmem:s17+$0x0]  }
0x51: {  	s3 =	sor.u32 $0x20, s8;
	s12 =	sor.u32 s31, s7;
	v16 =	vld [tilespmem:s9+$0x0];
	s9 =	sor.u32 s0, s30;
	[tilespmem:s22+$0x1480] =	vst v9;
	v9 =	vadd.f32 v10, v1;
	v1 =	vmov v5  }
0x52: {  	s4 =	sor.u32 s3, s7;
	s0 =	sor.u32 s31, s30;
	s31 =	sor.u32 s3, s30;
	v10 =	vld [tilespmem:s9+$0x0];
	[tilespmem:s29+$0x1400] =	vst v12;
	v12 =	vadd.f32 v14, v6  }
0x53: {  	p1 =	slt.u32 s15, $0x3C0;
	s7 =	sshra.s32 s16, $0x2;
	s22 =	sor.u32 s8, s30;
	v14 =	vld [tilespmem:s9+$0x80];
	[tilespmem:s21+$0x1400] =	vst v8;
	v8 =	vadd.f32 v13, v2;
	v2 =	vmov v6  }
0x54: {  	s21 =	smov.u32 s26;
	v5 =	vld [tilespmem:s12+$0x0];
	[tilespmem:s28+$0x1400] =	vst v12;
	v6 =	vadd.f32 v15, v4  }
0x55: {  	p0 =	por !p0, !p0;
	s3 =	simm.s32 $0x1;
	v12 =	vld [tilespmem:s0+$0x0];
	[tilespmem:s20+$0x1400] =	vst v9;
	v9 =	vadd.f32 v11, v0;
	v0 =	vmov v3;
	v3 =	vmov v7;
	s20 =	smov.u32 s25  }
0x56: {  	s3 =	simm.s32 @!p0 $0x0;
	v7 =	vld [tilespmem:s0+$0x80];
	[tilespmem:s1+$0x1400] =	vst v6;
	v4 =	vmov v16  }
0x57: {  	s1 =	sshll.u32 s3, $0x6;
	v6 =	vld [tilespmem:s4+$0x0];
	v10 =	vadd.f32 v10, v4;
	[tilespmem:s19+$0x1400] =	vst v8;
	s19 =	smov.u32 s24  }
0x58: {  	s3 =	sadd.s32 s1, s16;
	v11 =	vld [tilespmem:s31+$0x0];
	v13 =	vadd.f32 v14, v4;
	[tilespmem:s17+$0x1400] =	vst v9;
	s17 =	smov.u32 s18;
	s18 =	smov.u32 s23  }
0x59: {  	s4 =	sadd.s32 $0x10, s3;
	s8 =	sadd.s32 $0x20, s3;
	s30 =	sadd.s32 $0x30, s3;
	v14 =	vld [tilespmem:s31+$0x80];
	[tilespmem:s9+$0x1400] =	vst v10  }
0x5a: {  	s29 =	sor.u32 $0x100, s4;
	s28 =	sor.u32 $0x100, s8;
	s1 =	sor.u32 $0x100, s30;
	v8 =	vld [tilespmem:s22+$0x0];
	v10 =	vadd.f32 v12, v5;
	[tilespmem:s9+$0x1480] =	vst v13  }
0x5b: {  	s26 =	sor.u32 $0x100, s3;
	s25 =	sor.u32 $0x180, s4;
	s24 =	sor.u32 $0x180, s8;
	v12 =	vadd.f32 v7, v5;
	v13 =	vld [tilespmem:s1+$0x0]  }
.Ltmp0:
0x5c: {  	s23 =	sor.u32 $0x180, s3;
	v9 =	vld [tilespmem:s22+$0x80];
	[tilespmem:s0+$0x1400] =	vst v10;
	(pc) =	sbr.rel @p1 .LBB2_2-.Ltmp0, $4  }
0x5d: {  	v7 =	vld [tilespmem:s7+$0x1000];
	[tilespmem:s0+$0x1480] =	vst v12;
	v10 =	vadd.f32 v11, v6  }
0x5e: {  	v12 =	vld [tilespmem:s29+$0x0];
	v14 =	vadd.f32 v14, v6  }
0x5f: {  	[tilespmem:s31+$0x1400] =	vst v10;
	v11 =	vld [tilespmem:s21+$0x0]  }
0x60: {  	[tilespmem:s31+$0x1480] =	vst v14;
	v13 =	vadd.f32 v13, v4;
	v10 =	vld [tilespmem:s20+$0x0]  }
0x61: {  	_ = 	snop  }
0x62: {  	v8 =	vadd.f32 v8, v7  }
0x63: {  	v9 =	vadd.f32 v9, v7  }
0x64: {  	[tilespmem:s22+$0x1400] =	vst v8  }
0x65: {  	v14 =	vld [tilespmem:s28+$0x0];
	[tilespmem:s22+$0x1480] =	vst v9  }
0x66: {  	v8 =	vld [tilespmem:s26+$0x0];
	_ =	sdelay $0x1  }
0x67: {  	v57 =	vld [tilespmem:s19+$0x0];
	v55 =	vadd.f32 v12, v5  }
0x68: {  	s0 =	sor.u32 $0x180, s30;
	v15 =	vld [tilespmem:s17+$0x0];
	[tilespmem:s1+$0x1400] =	vst v13;
	v11 =	vadd.f32 v11, v3  }
0x69: {  	v56 =	vld [tilespmem:s0+$0x0];
	[tilespmem:s29+$0x1400] =	vst v55;
	v14 =	vadd.f32 v14, v6  }
0x6a: {  	v9 =	vld [tilespmem:s25+$0x0];
	[tilespmem:s21+$0x1400] =	vst v11;
	v8 =	vadd.f32 v8, v7  }
0x6b: {  	v1 =	vadd.f32 v10, v1;
	v11 =	vld [tilespmem:s18+$0x0];
	[tilespmem:s28+$0x1400] =	vst v14  }
0x6c: {  	v2 =	vadd.f32 v57, v2;
	v58 =	vld [tilespmem:s24+$0x0];
	[tilespmem:s26+$0x1400] =	vst v8  }
0x6d: {  	v0 =	vadd.f32 v15, v0;
	[tilespmem:s20+$0x1400] =	vst v1;
	v59 =	vld [tilespmem:s23+$0x0]  }
0x6e: {  	v4 =	vadd.f32 v56, v4;
	[tilespmem:s19+$0x1400] =	vst v2  }
0x6f: {  	[tilespmem:s17+$0x1400] =	vst v0;
	v60 =	vadd.f32 v9, v5  }
0x70: {  	[tilespmem:s0+$0x1400] =	vst v4;
	v62 =	vadd.f32 v11, v3  }
0x71: {  	[tilespmem:s25+$0x1400] =	vst v60;
	v61 =	vadd.f32 v58, v6  }
0x72: {  	s14 =	sadd.s32 $0x1, s14;
	[tilespmem:s18+$0x1400] =	vst v62;
	v63 =	vadd.f32 v59, v7  }
0x73: {  	p0 =	sne.s32 s14, s6;
	[tilespmem:s24+$0x1400] =	vst v61  }
.Ltmp1:
0x74: {  	s31 =	simm.s32 $0x1400;
	[tilespmem:s23+$0x1400] =	vst v63;
	(pc) =	sbr.rel @p0 .LBB2_1-.Ltmp1, $4  }
0x75: {  	[hbm4b:s5+s2] =	stream.linear.scatter [tilespmem:s31], [sflag:$0x3], $0x1000, $0x38;
	[tilespmem:$0x2400] =	vst v63  }
0x76: {  	_ =	swait.ge [sflag:s13], $0x1000  }
0x77: {  	[sflag:s13] =	ssyncset.done $0x0  }
0x78: {  	[sflag:s13] =	ssyncadd.s32 $0xFFFFF000  }
0x79: {  	_ =	sfence.sel $0x180000  }
0x7a: {  	[bflag:$0x0] =	sbarrier.arrive $0xFFFF  }
0x7b: {  	_ =	strace $0x90000047  }
0x7c: {  	s0 =	stileid.u32;
	[bflag:$0x2] =	sbarrier.arrive $0xFFFF  }
0x7d: {  	p0 =	sne.s32 s0, $0x0;
	s0 =	rddreg [dreg:$0x3]  }
0x7e: {  	s0 =	sadd.s32 @!p0 $0x100000, s0  }
0x7f: {  	[sflag:s0] =	ssyncadd.tile.s32 @!p0 $0x1;
	_ =	shalt  }
.Lfunc_end2:
_tile_overlayer_lowered:
.L_overlay_start_2:
0x80: {  	(tag) =	ssettag $0x2  }
0x81: {  	s0 =	rddreg [dreg:$0x0];
	s2 =	stileid.u32  }
0x82: {  	s1 =	rddreg [dreg:$0x1];
	p0 =	sne.s32 s2, $0x0  }
0x83: {  	s3 =	rddreg [dreg:$0x2];
	[bflag:$0x3] =	sbarrier.arrive $0xFFFF;
	s2 =	simm.s32 @!p0 $0x1C04  }
0x84: {  	[timem:s3], [sflag:s2] =	dma.local @!p0 [hbm:s0], s1  }
0x85: {  	s0 =	simm.s32 @!p0 $0x4  }
0x86: {  	_ =	swait.ge @!p0 [sflag:s0], s1  }
0x87: {  	s1 =	ssub.s32 @!p0 $0x0, s1;
	[sflag:s0] =	ssyncset.done @!p0 $0x0  }
0x88: {  	[sflag:s0] =	ssyncadd.s32 @!p0 s1  }
0x89: {  	[bflag:$0x3] =	sbarrier.arrive $0xFFFF  }
0x8a: {  	_ =	shalt  }

</sc_bundles>
